<compile_context>
chip_gen: v7x
topology: tpu7x:2x2x1
jax: 0.10.2.dev20260603
libtpu: 0.0.44.dev20260713+nightly
codegen_flags: <defaults>
</compile_context>

<pallas_src>
import functools

import jax
import jax.numpy as jnp
from jax import lax
from jax.experimental import pallas as pl
from jax.experimental.pallas import tpu as pltpu
from jax.experimental.pallas import tpu_sc as plsc

_LOSS_WEIGHT = 0.01
_L = 16
_NUM_CORES = 2
_NUM_SUBCORES = 16
_CHUNK = 512

_TAKE_DNUMS = lax.GatherDimensionNumbers(
    offset_dims=(), collapsed_slice_dims=(0,), start_index_map=(0,))


def _lane_bcast(x, idx):
    return lax.gather(
        x, idx[:, None], _TAKE_DNUMS, (1,),
        mode=lax.GatherScatterMode.PROMISE_IN_BOUNDS)


def _sc_body(num_rows, num_experts, rw_hbm, out_hbm, buf, part):
    cid = lax.axis_index("c")
    sid = lax.axis_index("s")
    wid = sid * _NUM_CORES + cid
    zeros = jnp.zeros((_L,), dtype=jnp.float32)
    idx0 = jnp.zeros((_L,), dtype=jnp.int32)
    idx1 = jnp.ones((_L,), dtype=jnp.int32)
    n_groups = num_experts // _L

    def token_threshold(v):
        a = jnp.maximum(v[0], v[1])
        b = jnp.minimum(v[0], v[1])
        c2 = jnp.maximum(v[2], v[3])
        d = jnp.minimum(v[2], v[3])
        m1 = jnp.maximum(a, c2)
        m2 = jnp.maximum(jnp.minimum(a, c2), jnp.maximum(b, d))
        sk, sv = plsc.sort_key_val(m1, m2, descending=True)
        return jnp.maximum(_lane_bcast(sk, idx1), _lane_bcast(sv, idx0))

    def chunk_step(c, accs):
        pltpu.sync_copy(rw_hbm.at[wid, pl.ds(c * _CHUNK, _CHUNK)], buf)

        @plsc.parallel_loop(0, _CHUNK, carry=accs, unroll=4)
        def row_loop(r, carry):
            sums, cnts = carry
            va = [buf[r, pl.ds(j * _L, _L)] for j in range(n_groups)]
            vb = [buf[r, pl.ds(num_experts + j * _L, _L)]
                  for j in range(n_groups)]
            tha = token_threshold(va)
            thb = token_threshold(vb)
            sums = tuple(sums[j] + (va[j] + vb[j]) for j in range(n_groups))
            cnts = tuple(
                cnts[j]
                + jnp.where(va[j] >= tha, 1.0, 0.0)
                + jnp.where(vb[j] >= thb, 1.0, 0.0)
                for j in range(n_groups))
            return (sums, cnts)

        return row_loop

    init = ((zeros,) * n_groups, (zeros,) * n_groups)
    sums, cnts = lax.fori_loop(0, num_rows // _CHUNK, chunk_step, init)

    acc = zeros
    for j in range(n_groups):
        acc = acc + sums[j] * cnts[j]
    part[...] = acc
    pltpu.sync_copy(part, out_hbm.at[wid])


def kernel(router_weights, n_routed_experts, num_experts_per_tok):
    num_layers, num_tokens, num_experts = router_weights.shape
    num_rows = num_tokens // 2
    rw = router_weights.astype(jnp.float32).reshape(
        num_layers, num_rows, 2 * num_experts)
    num_workers = _NUM_CORES * _NUM_SUBCORES
    assert num_layers == num_workers and num_experts == 4 * _L
    assert num_rows % _CHUNK == 0

    run = pl.kernel(
        functools.partial(_sc_body, num_rows, num_experts),
        out_type=jax.ShapeDtypeStruct((num_workers, _L), jnp.float32),
        mesh=plsc.VectorSubcoreMesh(core_axis_name="c", subcore_axis_name="s"),
        scratch_types=[
            pltpu.VMEM((_CHUNK, 2 * num_experts), jnp.float32),
            pltpu.VMEM((_L,), jnp.float32),
        ],
        compiler_params=pltpu.CompilerParams(
            needs_layout_passes=False, disable_bounds_checks=True),
    )
    partials = run(rw)
    scale = n_routed_experts / (num_tokens * num_experts_per_tok)
    return partials.sum() * jnp.float32(scale / num_tokens * _LOSS_WEIGHT)

# --- scband reference (transcript-rebuilt; emitter-appended) ---
"""Pipeline reference for scband-balancing-loss-1477468750521 (READ-ONLY COPY).

The authoritative reference and input builder live on the scoring server;
editing this copy changes nothing except your own understanding.
"""

import jax, jax.numpy as jnp
import numpy as np

LOSS_WEIGHT = 0.01

def setup_inputs(seed: int = 0) -> dict:
    key = jax.random.key(seed)
    router_weights = jax.random.normal(key, (32, 8192, 64), dtype=jnp.float32)
    return {
        "router_weights": router_weights,
        "n_routed_experts": 64,
        "num_experts_per_tok": 2,
    }

def reference(router_weights, n_routed_experts, num_experts_per_tok):
    if LOSS_WEIGHT == 0:
        return jnp.float32(0.0)
    num_layers = router_weights.shape[0]
    n_routed_experts_static = router_weights.shape[2]
    num_experts_per_tok_static = 2
    rw = router_weights.astype(jnp.float32)
    # top-k expert selection per token
    _, selected_experts = jax.lax.top_k(rw, num_experts_per_tok_static)
    selected_experts_flat = selected_experts.reshape(num_layers, -1)
    offset = jnp.arange(num_layers)[:, None] * n_routed_experts
    selected_experts_offset = (selected_experts_flat + offset).reshape(-1)
    # histogram over num_layers * n_routed_experts bins (torch.histc equivalent for integer values in [0, bins))
    tokens_per_expert_flat = jnp.bincount(
        selected_experts_offset, length=num_layers * n_routed_experts_static
    ).astype(jnp.float32)
    tokens_per_expert = tokens_per_expert_flat.reshape(num_layers, n_routed_experts_static)
    tokens_per_expert_global = tokens_per_expert.astype(rw.dtype)
    # local (non-distributed) path: global_average=False or dist not initialized
    scale_global = n_routed_experts / (rw.shape[1] * num_experts_per_tok)
    routing_weights_mean_global = rw.mean(axis=1)
    loss = scale_global * (tokens_per_expert_global * routing_weights_mean_global).sum(-1)
    loss = loss.sum()
    return loss * LOSS_WEIGHT

if __name__ == "__main__":
    import jax
    _d = setup_inputs()
    print(jax.jit(kernel)(*tuple(_d.values())))

</pallas_src>

<mosaic_0001>
#map = affine_map<(d0, d1) -> (0, 0, 0)>
#map1 = affine_map<(d0, d1) -> (0, 0)>
module attributes {stable_mosaic.version = 14 : i64} {
  func.func @_sc_body(%arg0: i32, %arg1: i32, %arg2: memref<32x4096x128xf32, #tpu.memory_space<hbm>>, %arg3: memref<32x16xf32, #tpu.memory_space<hbm>>, %arg4: memref<512x128xf32, #tpu.memory_space<vmem>>, %arg5: memref<16xf32, #tpu.memory_space<vmem>>) attributes {dimension_semantics = [#tpu.dimension_semantics<core_parallel>, #tpu.dimension_semantics<subcore_parallel>], iteration_bounds = array<i64: 2, 16>, scalar_prefetch = 0 : i64, scratch_operands = 2 : i64, tpu.core_type = #tpu.core_type<sc_vector_subcore>, window_params = [{transform_indices = #map}, {transform_indices = #map1}]} {
    %mul3A = arith.constant 2 : i32
    %mul3A_0 = arith.muli %arg1, %mul3A : i32
    %add3A = arith.addi %mul3A_0, %arg0 : i32
    %broadcast_in_dim3A = arith.constant 0.000000e+00 : f32
    %broadcast_in_dim3A_1 = vector.broadcast %broadcast_in_dim3A : f32 to vector<16xf32>
    %broadcast_in_dim3A_2 = arith.constant 0 : i32
    %broadcast_in_dim3A_3 = vector.broadcast %broadcast_in_dim3A_2 : i32 to vector<16xi32>
    %broadcast_in_dim3A_4 = arith.constant 1 : i32
    %broadcast_in_dim3A_5 = vector.broadcast %broadcast_in_dim3A_4 : i32 to vector<16xi32>
    %scan3A = arith.constant 0 : i32
    %scan3A_6 = arith.constant 8 : i32
    %scan3A_7 = arith.addi %scan3A, %scan3A_6 : i32
    %scan3A_8 = arith.constant 1 : i32
    %scan3A_9:8 = scf.for %scan3A_20 = %scan3A to %scan3A_7 step %scan3A_8 iter_args(%scan3A_21 = %broadcast_in_dim3A_1, %scan3A_22 = %broadcast_in_dim3A_1, %scan3A_23 = %broadcast_in_dim3A_1, %scan3A_24 = %broadcast_in_dim3A_1, %scan3A_25 = %broadcast_in_dim3A_1, %scan3A_26 = %broadcast_in_dim3A_1, %scan3A_27 = %broadcast_in_dim3A_1, %scan3A_28 = %broadcast_in_dim3A_1) -> (vector<16xf32>, vector<16xf32>, vector<16xf32>, vector<16xf32>, vector<16xf32>, vector<16xf32>, vector<16xf32>, vector<16xf32>)  : i32 {
      %mul3A_29 = arith.constant 512 : i32
      %mul3A_30 = arith.muli %scan3A_20, %mul3A_29 : i32
      "tpu.region"() ({
        %run_scoped3A = tpu.sem_alloc : memref<!tpu.dma_semaphore, #tpu.memory_space<semaphore_mem>>
        %dma_start3A = arith.constant 0 : i32
        %dma_start3A_34 = tpu.memref_slice %arg2[%add3A, %mul3A_30, %dma_start3A] : memref<32x4096x128xf32, #tpu.memory_space<hbm>> -> memref<1x512x128xf32, #tpu.memory_space<hbm>>
        %dma_start3A_35 = tpu.memref_squeeze %dma_start3A_34 : memref<1x512x128xf32, #tpu.memory_space<hbm>> -> memref<512x128xf32, #tpu.memory_space<hbm>>
        %dma_start3A_36 = arith.constant 0 : i32
        %dma_start3A_37 = tpu.memref_slice %arg2[%add3A, %mul3A_30, %dma_start3A_36] : memref<32x4096x128xf32, #tpu.memory_space<hbm>> -> memref<1x512x128xf32, #tpu.memory_space<hbm>>
        %dma_start3A_38 = tpu.memref_squeeze %dma_start3A_37 : memref<1x512x128xf32, #tpu.memory_space<hbm>> -> memref<512x128xf32, #tpu.memory_space<hbm>>
        tpu.enqueue_dma source(%dma_start3A_38 : memref<512x128xf32, #tpu.memory_space<hbm>>) target(%arg4 : memref<512x128xf32, #tpu.memory_space<vmem>>) target_semaphore(%run_scoped3A : memref<!tpu.dma_semaphore, #tpu.memory_space<semaphore_mem>>)
        %dma_wait3A = arith.constant 0 : i32
        %dma_wait3A_39 = tpu.memref_slice %arg2[%add3A, %mul3A_30, %dma_wait3A] : memref<32x4096x128xf32, #tpu.memory_space<hbm>> -> memref<1x512x128xf32, #tpu.memory_space<hbm>>
        %dma_wait3A_40 = tpu.memref_squeeze %dma_wait3A_39 : memref<1x512x128xf32, #tpu.memory_space<hbm>> -> memref<512x128xf32, #tpu.memory_space<hbm>>
        %dma_wait3A_41 = arith.constant 0 : i32
        %dma_wait3A_42 = tpu.memref_slice %arg2[%add3A, %mul3A_30, %dma_wait3A_41] : memref<32x4096x128xf32, #tpu.memory_space<hbm>> -> memref<1x512x128xf32, #tpu.memory_space<hbm>>
        %dma_wait3A_43 = tpu.memref_squeeze %dma_wait3A_42 : memref<1x512x128xf32, #tpu.memory_space<hbm>> -> memref<512x128xf32, #tpu.memory_space<hbm>>
        tpu.wait_dma2 semaphore(%run_scoped3A : memref<!tpu.dma_semaphore, #tpu.memory_space<semaphore_mem>>) src(%dma_wait3A_43 : memref<512x128xf32, #tpu.memory_space<hbm>>) dst(%arg4 : memref<512x128xf32, #tpu.memory_space<vmem>>)
        tpu.yield
      }) : () -> ()
      %parallel_loop3A = arith.constant 0 : i32
      %parallel_loop3A_31 = arith.constant 512 : i32
      %parallel_loop3A_32 = arith.constant 1 : i32
      %parallel_loop3A_33:8 = scf.for %parallel_loop3A_34 = %parallel_loop3A to %parallel_loop3A_31 step %parallel_loop3A_32 iter_args(%parallel_loop3A_35 = %scan3A_21, %parallel_loop3A_36 = %scan3A_22, %parallel_loop3A_37 = %scan3A_23, %parallel_loop3A_38 = %scan3A_24, %parallel_loop3A_39 = %scan3A_25, %parallel_loop3A_40 = %scan3A_26, %parallel_loop3A_41 = %scan3A_27, %parallel_loop3A_42 = %scan3A_28) -> (vector<16xf32>, vector<16xf32>, vector<16xf32>, vector<16xf32>, vector<16xf32>, vector<16xf32>, vector<16xf32>, vector<16xf32>)  : i32 {
        %parallel_loop3A_43 = arith.index_cast %parallel_loop3A_34 : i32 to index
        %parallel_loop3A_44 = arith.constant 0 : index
        %parallel_loop3A_45 = tpu.vector_load %arg4[%parallel_loop3A_43, %parallel_loop3A_44] {strides = array<i32>} : memref<512x128xf32, #tpu.memory_space<vmem>>, vector<16xf32>,
        %parallel_loop3A_46 = arith.index_cast %parallel_loop3A_34 : i32 to index
        %parallel_loop3A_47 = arith.constant 16 : index
        %parallel_loop3A_48 = tpu.vector_load %arg4[%parallel_loop3A_46, %parallel_loop3A_47] {strides = array<i32>} : memref<512x128xf32, #tpu.memory_space<vmem>>, vector<16xf32>,
        %parallel_loop3A_49 = arith.index_cast %parallel_loop3A_34 : i32 to index
        %parallel_loop3A_50 = arith.constant 32 : index
        %parallel_loop3A_51 = tpu.vector_load %arg4[%parallel_loop3A_49, %parallel_loop3A_50] {strides = array<i32>} : memref<512x128xf32, #tpu.memory_space<vmem>>, vector<16xf32>,
        %parallel_loop3A_52 = arith.index_cast %parallel_loop3A_34 : i32 to index
        %parallel_loop3A_53 = arith.constant 48 : index
        %parallel_loop3A_54 = tpu.vector_load %arg4[%parallel_loop3A_52, %parallel_loop3A_53] {strides = array<i32>} : memref<512x128xf32, #tpu.memory_space<vmem>>, vector<16xf32>,
        %parallel_loop3A_55 = arith.index_cast %parallel_loop3A_34 : i32 to index
        %parallel_loop3A_56 = arith.constant 64 : index
        %parallel_loop3A_57 = tpu.vector_load %arg4[%parallel_loop3A_55, %parallel_loop3A_56] {strides = array<i32>} : memref<512x128xf32, #tpu.memory_space<vmem>>, vector<16xf32>,
        %parallel_loop3A_58 = arith.index_cast %parallel_loop3A_34 : i32 to index
        %parallel_loop3A_59 = arith.constant 80 : index
        %parallel_loop3A_60 = tpu.vector_load %arg4[%parallel_loop3A_58, %parallel_loop3A_59] {strides = array<i32>} : memref<512x128xf32, #tpu.memory_space<vmem>>, vector<16xf32>,
        %parallel_loop3A_61 = arith.index_cast %parallel_loop3A_34 : i32 to index
        %parallel_loop3A_62 = arith.constant 96 : index
        %parallel_loop3A_63 = tpu.vector_load %arg4[%parallel_loop3A_61, %parallel_loop3A_62] {strides = array<i32>} : memref<512x128xf32, #tpu.memory_space<vmem>>, vector<16xf32>,
        %parallel_loop3A_64 = arith.index_cast %parallel_loop3A_34 : i32 to index
        %parallel_loop3A_65 = arith.constant 112 : index
        %parallel_loop3A_66 = tpu.vector_load %arg4[%parallel_loop3A_64, %parallel_loop3A_65] {strides = array<i32>} : memref<512x128xf32, #tpu.memory_space<vmem>>, vector<16xf32>,
        %parallel_loop3A_67 = arith.maximumf %parallel_loop3A_45, %parallel_loop3A_48 : vector<16xf32>
        %parallel_loop3A_68 = arith.minimumf %parallel_loop3A_45, %parallel_loop3A_48 : vector<16xf32>
        %parallel_loop3A_69 = arith.maximumf %parallel_loop3A_51, %parallel_loop3A_54 : vector<16xf32>
        %parallel_loop3A_70 = arith.minimumf %parallel_loop3A_51, %parallel_loop3A_54 : vector<16xf32>
        %parallel_loop3A_71 = arith.maximumf %parallel_loop3A_67, %parallel_loop3A_69 : vector<16xf32>
        %parallel_loop3A_72 = arith.minimumf %parallel_loop3A_67, %parallel_loop3A_69 : vector<16xf32>
        %parallel_loop3A_73 = arith.maximumf %parallel_loop3A_68, %parallel_loop3A_70 : vector<16xf32>
        %parallel_loop3A_74 = arith.maximumf %parallel_loop3A_72, %parallel_loop3A_73 : vector<16xf32>
        %parallel_loop3A_75 = arith.constant dense<true> : vector<16xi1>
        %parallel_loop3A_76, %parallel_loop3A_77, %parallel_loop3A_78 = tpu.sort %parallel_loop3A_71, %parallel_loop3A_74 masked %parallel_loop3A_75 {descending = true} : (vector<16xf32>, vector<16xf32>, vector<16xi1>) -> (vector<16xi1>, vector<16xf32>, vector<16xf32>)
        %parallel_loop3A_79 = vector.shape_cast %broadcast_in_dim3A_5 : vector<16xi32> to vector<16x1xi32>
        %parallel_loop3A_80 = vector.shape_cast %parallel_loop3A_79 : vector<16x1xi32> to vector<16xi32>
        %parallel_loop3A_81 = tpu.dynamic_gather %parallel_loop3A_77[%parallel_loop3A_80] in [0] : vector<16xf32>, vector<16xi32> -> vector<16xf32>
        %parallel_loop3A_82 = vector.shape_cast %broadcast_in_dim3A_3 : vector<16xi32> to vector<16x1xi32>
        %parallel_loop3A_83 = vector.shape_cast %parallel_loop3A_82 : vector<16x1xi32> to vector<16xi32>
        %parallel_loop3A_84 = tpu.dynamic_gather %parallel_loop3A_78[%parallel_loop3A_83] in [0] : vector<16xf32>, vector<16xi32> -> vector<16xf32>
        %parallel_loop3A_85 = arith.maximumf %parallel_loop3A_81, %parallel_loop3A_84 : vector<16xf32>
        %parallel_loop3A_86 = arith.maximumf %parallel_loop3A_57, %parallel_loop3A_60 : vector<16xf32>
        %parallel_loop3A_87 = arith.minimumf %parallel_loop3A_57, %parallel_loop3A_60 : vector<16xf32>
        %parallel_loop3A_88 = arith.maximumf %parallel_loop3A_63, %parallel_loop3A_66 : vector<16xf32>
        %parallel_loop3A_89 = arith.minimumf %parallel_loop3A_63, %parallel_loop3A_66 : vector<16xf32>
        %parallel_loop3A_90 = arith.maximumf %parallel_loop3A_86, %parallel_loop3A_88 : vector<16xf32>
        %parallel_loop3A_91 = arith.minimumf %parallel_loop3A_86, %parallel_loop3A_88 : vector<16xf32>
        %parallel_loop3A_92 = arith.maximumf %parallel_loop3A_87, %parallel_loop3A_89 : vector<16xf32>
        %parallel_loop3A_93 = arith.maximumf %parallel_loop3A_91, %parallel_loop3A_92 : vector<16xf32>
        %parallel_loop3A_94 = arith.constant dense<true> : vector<16xi1>
        %parallel_loop3A_95, %parallel_loop3A_96, %parallel_loop3A_97 = tpu.sort %parallel_loop3A_90, %parallel_loop3A_93 masked %parallel_loop3A_94 {descending = true} : (vector<16xf32>, vector<16xf32>, vector<16xi1>) -> (vector<16xi1>, vector<16xf32>, vector<16xf32>)
        %parallel_loop3A_98 = vector.shape_cast %broadcast_in_dim3A_5 : vector<16xi32> to vector<16x1xi32>
        %parallel_loop3A_99 = vector.shape_cast %parallel_loop3A_98 : vector<16x1xi32> to vector<16xi32>
        %parallel_loop3A_100 = tpu.dynamic_gather %parallel_loop3A_96[%parallel_loop3A_99] in [0] : vector<16xf32>, vector<16xi32> -> vector<16xf32>
        %parallel_loop3A_101 = vector.shape_cast %broadcast_in_dim3A_3 : vector<16xi32> to vector<16x1xi32>
        %parallel_loop3A_102 = vector.shape_cast %parallel_loop3A_101 : vector<16x1xi32> to vector<16xi32>
        %parallel_loop3A_103 = tpu.dynamic_gather %parallel_loop3A_97[%parallel_loop3A_102] in [0] : vector<16xf32>, vector<16xi32> -> vector<16xf32>
        %parallel_loop3A_104 = arith.maximumf %parallel_loop3A_100, %parallel_loop3A_103 : vector<16xf32>
        %parallel_loop3A_105 = arith.addf %parallel_loop3A_45, %parallel_loop3A_57 : vector<16xf32>
        %parallel_loop3A_106 = arith.addf %parallel_loop3A_35, %parallel_loop3A_105 : vector<16xf32>
        %parallel_loop3A_107 = arith.addf %parallel_loop3A_48, %parallel_loop3A_60 : vector<16xf32>
        %parallel_loop3A_108 = arith.addf %parallel_loop3A_36, %parallel_loop3A_107 : vector<16xf32>
        %parallel_loop3A_109 = arith.addf %parallel_loop3A_51, %parallel_loop3A_63 : vector<16xf32>
        %parallel_loop3A_110 = arith.addf %parallel_loop3A_37, %parallel_loop3A_109 : vector<16xf32>
        %parallel_loop3A_111 = arith.addf %parallel_loop3A_54, %parallel_loop3A_66 : vector<16xf32>
        %parallel_loop3A_112 = arith.addf %parallel_loop3A_38, %parallel_loop3A_111 : vector<16xf32>
        %parallel_loop3A_113 = arith.cmpf oge, %parallel_loop3A_45, %parallel_loop3A_85 : vector<16xf32>
        %parallel_loop3A_114 = arith.constant 1.000000e+00 : f32
        %parallel_loop3A_115 = arith.constant 0.000000e+00 : f32
        %parallel_loop3A_116 = vector.broadcast %parallel_loop3A_114 : f32 to vector<16xf32>
        %parallel_loop3A_117 = vector.broadcast %parallel_loop3A_115 : f32 to vector<16xf32>
        %parallel_loop3A_118 = arith.select %parallel_loop3A_113, %parallel_loop3A_116, %parallel_loop3A_117 : vector<16xi1>, vector<16xf32>
        %parallel_loop3A_119 = arith.addf %parallel_loop3A_39, %parallel_loop3A_118 : vector<16xf32>
        %parallel_loop3A_120 = arith.cmpf oge, %parallel_loop3A_57, %parallel_loop3A_104 : vector<16xf32>
        %parallel_loop3A_121 = arith.constant 1.000000e+00 : f32
        %parallel_loop3A_122 = arith.constant 0.000000e+00 : f32
        %parallel_loop3A_123 = vector.broadcast %parallel_loop3A_121 : f32 to vector<16xf32>
        %parallel_loop3A_124 = vector.broadcast %parallel_loop3A_122 : f32 to vector<16xf32>
        %parallel_loop3A_125 = arith.select %parallel_loop3A_120, %parallel_loop3A_123, %parallel_loop3A_124 : vector<16xi1>, vector<16xf32>
        %parallel_loop3A_126 = arith.addf %parallel_loop3A_119, %parallel_loop3A_125 : vector<16xf32>
        %parallel_loop3A_127 = arith.cmpf oge, %parallel_loop3A_48, %parallel_loop3A_85 : vector<16xf32>
        %parallel_loop3A_128 = arith.constant 1.000000e+00 : f32
        %parallel_loop3A_129 = arith.constant 0.000000e+00 : f32
        %parallel_loop3A_130 = vector.broadcast %parallel_loop3A_128 : f32 to vector<16xf32>
        %parallel_loop3A_131 = vector.broadcast %parallel_loop3A_129 : f32 to vector<16xf32>
        %parallel_loop3A_132 = arith.select %parallel_loop3A_127, %parallel_loop3A_130, %parallel_loop3A_131 : vector<16xi1>, vector<16xf32>
        %parallel_loop3A_133 = arith.addf %parallel_loop3A_40, %parallel_loop3A_132 : vector<16xf32>
        %parallel_loop3A_134 = arith.cmpf oge, %parallel_loop3A_60, %parallel_loop3A_104 : vector<16xf32>
        %parallel_loop3A_135 = arith.constant 1.000000e+00 : f32
        %parallel_loop3A_136 = arith.constant 0.000000e+00 : f32
        %parallel_loop3A_137 = vector.broadcast %parallel_loop3A_135 : f32 to vector<16xf32>
        %parallel_loop3A_138 = vector.broadcast %parallel_loop3A_136 : f32 to vector<16xf32>
        %parallel_loop3A_139 = arith.select %parallel_loop3A_134, %parallel_loop3A_137, %parallel_loop3A_138 : vector<16xi1>, vector<16xf32>
        %parallel_loop3A_140 = arith.addf %parallel_loop3A_133, %parallel_loop3A_139 : vector<16xf32>
        %parallel_loop3A_141 = arith.cmpf oge, %parallel_loop3A_51, %parallel_loop3A_85 : vector<16xf32>
        %parallel_loop3A_142 = arith.constant 1.000000e+00 : f32
        %parallel_loop3A_143 = arith.constant 0.000000e+00 : f32
        %parallel_loop3A_144 = vector.broadcast %parallel_loop3A_142 : f32 to vector<16xf32>
        %parallel_loop3A_145 = vector.broadcast %parallel_loop3A_143 : f32 to vector<16xf32>
        %parallel_loop3A_146 = arith.select %parallel_loop3A_141, %parallel_loop3A_144, %parallel_loop3A_145 : vector<16xi1>, vector<16xf32>
        %parallel_loop3A_147 = arith.addf %parallel_loop3A_41, %parallel_loop3A_146 : vector<16xf32>
        %parallel_loop3A_148 = arith.cmpf oge, %parallel_loop3A_63, %parallel_loop3A_104 : vector<16xf32>
        %parallel_loop3A_149 = arith.constant 1.000000e+00 : f32
        %parallel_loop3A_150 = arith.constant 0.000000e+00 : f32
        %parallel_loop3A_151 = vector.broadcast %parallel_loop3A_149 : f32 to vector<16xf32>
        %parallel_loop3A_152 = vector.broadcast %parallel_loop3A_150 : f32 to vector<16xf32>
        %parallel_loop3A_153 = arith.select %parallel_loop3A_148, %parallel_loop3A_151, %parallel_loop3A_152 : vector<16xi1>, vector<16xf32>
        %parallel_loop3A_154 = arith.addf %parallel_loop3A_147, %parallel_loop3A_153 : vector<16xf32>
        %parallel_loop3A_155 = arith.cmpf oge, %parallel_loop3A_54, %parallel_loop3A_85 : vector<16xf32>
        %parallel_loop3A_156 = arith.constant 1.000000e+00 : f32
        %parallel_loop3A_157 = arith.constant 0.000000e+00 : f32
        %parallel_loop3A_158 = vector.broadcast %parallel_loop3A_156 : f32 to vector<16xf32>
        %parallel_loop3A_159 = vector.broadcast %parallel_loop3A_157 : f32 to vector<16xf32>
        %parallel_loop3A_160 = arith.select %parallel_loop3A_155, %parallel_loop3A_158, %parallel_loop3A_159 : vector<16xi1>, vector<16xf32>
        %parallel_loop3A_161 = arith.addf %parallel_loop3A_42, %parallel_loop3A_160 : vector<16xf32>
        %parallel_loop3A_162 = arith.cmpf oge, %parallel_loop3A_66, %parallel_loop3A_104 : vector<16xf32>
        %parallel_loop3A_163 = arith.constant 1.000000e+00 : f32
        %parallel_loop3A_164 = arith.constant 0.000000e+00 : f32
        %parallel_loop3A_165 = vector.broadcast %parallel_loop3A_163 : f32 to vector<16xf32>
        %parallel_loop3A_166 = vector.broadcast %parallel_loop3A_164 : f32 to vector<16xf32>
        %parallel_loop3A_167 = arith.select %parallel_loop3A_162, %parallel_loop3A_165, %parallel_loop3A_166 : vector<16xi1>, vector<16xf32>
        %parallel_loop3A_168 = arith.addf %parallel_loop3A_161, %parallel_loop3A_167 : vector<16xf32>
        scf.yield %parallel_loop3A_106, %parallel_loop3A_108, %parallel_loop3A_110, %parallel_loop3A_112, %parallel_loop3A_126, %parallel_loop3A_140, %parallel_loop3A_154, %parallel_loop3A_168 : vector<16xf32>, vector<16xf32>, vector<16xf32>, vector<16xf32>, vector<16xf32>, vector<16xf32>, vector<16xf32>, vector<16xf32>
      } {sc.loop_unroll_factor = 4 : i64, sc.parallel_access}
      scf.yield %parallel_loop3A_33#0, %parallel_loop3A_33#1, %parallel_loop3A_33#2, %parallel_loop3A_33#3, %parallel_loop3A_33#4, %parallel_loop3A_33#5, %parallel_loop3A_33#6, %parallel_loop3A_33#7 : vector<16xf32>, vector<16xf32>, vector<16xf32>, vector<16xf32>, vector<16xf32>, vector<16xf32>, vector<16xf32>, vector<16xf32>
    }
    %scan3A_10 = arith.constant 8 : i32
    %mul3A_11 = arith.mulf %scan3A_9#0, %scan3A_9#4 : vector<16xf32>
    %add3A_12 = arith.addf %broadcast_in_dim3A_1, %mul3A_11 : vector<16xf32>
    %mul3A_13 = arith.mulf %scan3A_9#1, %scan3A_9#5 : vector<16xf32>
    %add3A_14 = arith.addf %add3A_12, %mul3A_13 : vector<16xf32>
    %mul3A_15 = arith.mulf %scan3A_9#2, %scan3A_9#6 : vector<16xf32>
    %add3A_16 = arith.addf %add3A_14, %mul3A_15 : vector<16xf32>
    %mul3A_17 = arith.mulf %scan3A_9#3, %scan3A_9#7 : vector<16xf32>
    %add3A_18 = arith.addf %add3A_16, %mul3A_17 : vector<16xf32>
    %swap3A = arith.constant 0 : index
    %swap3A_19 = tpu.vector_load %arg5[%swap3A] {strides = array<i32>} : memref<16xf32, #tpu.memory_space<vmem>>, vector<16xf32>,
    tpu.vector_store %arg5[%swap3A], %add3A_18 {strides = array<i32>} : memref<16xf32, #tpu.memory_space<vmem>>, vector<16xf32>,
    "tpu.region"() ({
      %run_scoped3A = tpu.sem_alloc : memref<!tpu.dma_semaphore, #tpu.memory_space<semaphore_mem>>
      %dma_start3A = arith.constant 0 : i32
      %dma_start3A_20 = tpu.memref_slice %arg3[%add3A, %dma_start3A] : memref<32x16xf32, #tpu.memory_space<hbm>> -> memref<1x16xf32, #tpu.memory_space<hbm>>
      %dma_start3A_21 = tpu.memref_squeeze %dma_start3A_20 : memref<1x16xf32, #tpu.memory_space<hbm>> -> memref<16xf32, #tpu.memory_space<hbm>>
      %dma_start3A_22 = arith.constant 0 : i32
      %dma_start3A_23 = tpu.memref_slice %arg3[%add3A, %dma_start3A_22] : memref<32x16xf32, #tpu.memory_space<hbm>> -> memref<1x16xf32, #tpu.memory_space<hbm>>
      %dma_start3A_24 = tpu.memref_squeeze %dma_start3A_23 : memref<1x16xf32, #tpu.memory_space<hbm>> -> memref<16xf32, #tpu.memory_space<hbm>>
      tpu.enqueue_dma source(%arg5 : memref<16xf32, #tpu.memory_space<vmem>>) target(%dma_start3A_24 : memref<16xf32, #tpu.memory_space<hbm>>) target_semaphore(%run_scoped3A : memref<!tpu.dma_semaphore, #tpu.memory_space<semaphore_mem>>)
      %dma_wait3A = arith.constant 0 : i32
      %dma_wait3A_25 = tpu.memref_slice %arg3[%add3A, %dma_wait3A] : memref<32x16xf32, #tpu.memory_space<hbm>> -> memref<1x16xf32, #tpu.memory_space<hbm>>
      %dma_wait3A_26 = tpu.memref_squeeze %dma_wait3A_25 : memref<1x16xf32, #tpu.memory_space<hbm>> -> memref<16xf32, #tpu.memory_space<hbm>>
      %dma_wait3A_27 = arith.constant 0 : i32
      %dma_wait3A_28 = tpu.memref_slice %arg3[%add3A, %dma_wait3A_27] : memref<32x16xf32, #tpu.memory_space<hbm>> -> memref<1x16xf32, #tpu.memory_space<hbm>>
      %dma_wait3A_29 = tpu.memref_squeeze %dma_wait3A_28 : memref<1x16xf32, #tpu.memory_space<hbm>> -> memref<16xf32, #tpu.memory_space<hbm>>
      tpu.wait_dma2 semaphore(%run_scoped3A : memref<!tpu.dma_semaphore, #tpu.memory_space<semaphore_mem>>) src(%arg5 : memref<16xf32, #tpu.memory_space<vmem>>) dst(%dma_wait3A_29 : memref<16xf32, #tpu.memory_space<hbm>>)
      tpu.yield
    }) : () -> ()
    return
  }
}

</mosaic_0001>

<sc_bundles>
// kernel: kernel.3.cloned.1.call-start
scs
__scs_entry_jumppad:
0x0: {  	(pc) =	sbr.rel $0x88, $3  }
0x1: {  	(tag) =	ssettag $0x0;
	lr =	simm.s32 $0x1  }
0x2: {  	[smem:$0x3F9E] =	sst lr;
	_ =	strace $0xD0000000  }
0x3: {  	_ = 	snop  }
0x4: {  	_ = 	snop  }
0x5: {  	_ = 	snop  }
0x6: {  	_ = 	snop  }
0x7: {  	_ = 	snop  }
__scs_overlays_trampoline_lowered:
0x8: {  	[smem:$0x3FAD] =	sst s0  }
0x9: {  	[smem:$0x3FAE] =	sst s1  }
0xa: {  	[smem:$0x3FAF] =	sst s2  }
0xb: {  	[smem:$0x3FB0] =	sst s3  }
0xc: {  	[smem:$0x3FB1] =	sst s4  }
0xd: {  	[smem:$0x3FB2] =	sst s5  }
0xe: {  	[smem:$0x3FB3] =	sst s6  }
0xf: {  	[smem:$0x3FB4] =	sst s7  }
0x10: {  	[smem:$0x3FB5] =	sst s8  }
0x11: {  	[smem:$0x3FB6] =	sst s9;
	s0 =	simm.s32 @!p0 $0x0  }
0x12: {  	s1 =	sld [smem:$0x3F9C];
	s0 =	simm.s32 @p0 $0x1  }
0x13: {  	[smem:$0x3FB7] =	sst s0;
	s0 =	simm.s32 @!p1 $0x0  }
0x14: {  	s2 =	sld [smem:$0x3F9B];
	s0 =	simm.s32 @p1 $0x1  }
0x15: {  	[smem:$0x3FB8] =	sst s0;
	s0 =	simm.s32 @!p2 $0x0  }
0x16: {  	s3 =	sld [smem:$0x3FDB];
	s0 =	simm.s32 @p2 $0x1  }
0x17: {  	s4 =	simm.s32 $0x1BF5;
	[smem:$0x3FBA] =	sst s0  }
0x18: {  	s0 =	sld [smem:$0x3F9D];
	_ =	swait.ge [sflag:s4], $0x0  }
0x19: {  	s7 =	sld [smem:$0x3F9E]  }
0x1a: {  	s8 =	sadd.s32 $0xFFFFE003, lr  }
0x1b: {  	s9 =	sadd.s32 $0xFFFFFEF7, lr;
	s5 =	simm.s32 $0xFFFFFFFF;
	p2 =	slt.u32 s8, $0xFFFFF086  }
0x1c: {  	p1 =	slt.u32 s9, $0xF7A;
	s5 =	simm.s32 @!p2 $0x0  }
0x1d: {  	s5 =	simm.s32 @p1 $0x1;
	p0 =	seq.s32 s7, s2  }
0x1e: {  	s7 =	smul.u32 @!p0 $0xF7A, s2;
	p2 =	seq.s32 @!p0 s5, $0x0  }
0x1f: {  	s9 =	smul.u32 $0xF7A, s1;
	s8 =	simm.s32 @!p0 $0x1BF5;
	p2 =	por !p2, p0  }
0x20: {  	[sflag:s8] =	ssyncset.s32 @!p0 $0xFFFFF086;
	s6 =	sadd.s32 @!p0 s3, s7;
	s7 =	simm.s32 @!p0 $0x108  }
0x21: {  	s3 =	sadd.s32 s3, s9;
	s6 =	sadd.s32 @!p0 $0x88, s6;
	s7 =	simm.s32 @p2 $0x1082  }
0x22: {  	[simem:s7], [sflag:s8] =	dma.local @!p0 [hbm:s6], $0xF7A  }
0x23: {  	s9 =	sor.u32 $0xD0000000, s2;
	s6 =	simm.s32 $0x108;
	_ =	swait.ge @!p0 [sflag:s8], $0x0  }
0x24: {  	s3 =	sadd.s32 $0x88, s3;
	s6 =	simm.s32 @!p1 $0x1082;
	[sflag:s4] =	ssyncset.s32 $0xFFFFF086  }
0x25: {  	[simem:s6], [sflag:s4] =	dma.local [hbm:s3], $0xF7A  }
0x26: {  	[smem:$0x3F9E] =	sst s1;
	(tag) =	ssettag s2;
	_ =	strace s9  }
0x27: {  	s1 =	sld [smem:$0x3FAE]  }
0x28: {  	s2 =	sld [smem:$0x3FAF]  }
0x29: {  	s4 =	sld [smem:$0x3FB1]  }
0x2a: {  	p0 =	seq.s32 s5, $0x0;
	s5 =	sld [smem:$0x3FB2]  }
0x2b: {  	s6 =	sld [smem:$0x3FB3]  }
0x2c: {  	s7 =	sld [smem:$0x3FB4]  }
0x2d: {  	s3 =	simm.s32 $0x108;
	s8 =	sld [smem:$0x3FB5]  }
0x2e: {  	s3 =	simm.s32 @!p0 $0x1082;
	s9 =	sld [smem:$0x3FB6]  }
0x2f: {  	lr =	sadd.s32 s0, s3;
	s0 =	sld [smem:$0x3FAD]  }
0x30: {  	s3 =	sld [smem:$0x3FB0]  }
0x31: {  	[smem:$0x3FB9] =	sst s10  }
0x32: {  	s10 =	sld [smem:$0x3FB7];
	_ =	sdelay $0x3  }
0x33: {  	p0 =	seq.s32 s10, $0x1;
	s10 =	sld [smem:$0x3FB9];
	_ =	sdelay $0x3  }
0x34: {  	[smem:$0x3FB9] =	sst s10  }
0x35: {  	s10 =	sld [smem:$0x3FB8];
	_ =	sdelay $0x3  }
0x36: {  	p1 =	seq.s32 s10, $0x1;
	s10 =	sld [smem:$0x3FB9];
	_ =	sdelay $0x3  }
0x37: {  	[smem:$0x3FB9] =	sst s10  }
0x38: {  	s10 =	sld [smem:$0x3FBA]  }
0x39: {  	_ = 	snop;
	(pc) =	sbr.ind lr, $3  }
0x3a: {  	_ = 	snop  }
0x3b: {  	_ = 	snop  }
0x3c: {  	p2 =	seq.s32 s10, $0x1;
	s10 =	sld [smem:$0x3FB9]  }
0x3d: {  	_ =	shalt  }
0x3e: {  	_ =	shalt  }
0x3f: {  	_ =	shalt  }
0x40: {  	_ =	shalt  }
0x41: {  	_ =	shalt  }
0x42: {  	_ =	shalt  }
0x43: {  	_ =	shalt  }
0x44: {  	_ =	shalt  }
0x45: {  	_ =	shalt  }
0x46: {  	_ =	shalt  }
0x47: {  	_ =	shalt  }
0x48: {  	_ =	shalt  }
0x49: {  	_ =	shalt  }
0x4a: {  	_ =	shalt  }
0x4b: {  	_ =	shalt  }
0x4c: {  	_ =	shalt  }
0x4d: {  	_ =	shalt  }
0x4e: {  	_ =	shalt  }
0x4f: {  	_ =	shalt  }
0x50: {  	_ =	shalt  }
0x51: {  	_ =	shalt  }
0x52: {  	_ =	shalt  }
0x53: {  	_ =	shalt  }
0x54: {  	_ =	shalt  }
0x55: {  	_ =	shalt  }
0x56: {  	_ =	shalt  }
0x57: {  	_ =	shalt  }
0x58: {  	_ =	shalt  }
0x59: {  	_ =	shalt  }
0x5a: {  	_ =	shalt  }
0x5b: {  	_ =	shalt  }
0x5c: {  	_ =	shalt  }
0x5d: {  	_ =	shalt  }
0x5e: {  	_ =	shalt  }
0x5f: {  	_ =	shalt  }
0x60: {  	_ =	shalt  }
0x61: {  	_ =	shalt  }
0x62: {  	_ =	shalt  }
0x63: {  	_ =	shalt  }
0x64: {  	_ =	shalt  }
0x65: {  	_ =	shalt  }
0x66: {  	_ =	shalt  }
0x67: {  	_ =	shalt  }
0x68: {  	_ =	shalt  }
0x69: {  	_ =	shalt  }
0x6a: {  	_ =	shalt  }
0x6b: {  	_ =	shalt  }
0x6c: {  	_ =	shalt  }
0x6d: {  	_ =	shalt  }
0x6e: {  	_ =	shalt  }
0x6f: {  	_ =	shalt  }
0x70: {  	_ =	shalt  }
0x71: {  	_ =	shalt  }
0x72: {  	_ =	shalt  }
0x73: {  	_ =	shalt  }
0x74: {  	_ =	shalt  }
0x75: {  	_ =	shalt  }
0x76: {  	_ =	shalt  }
0x77: {  	_ =	shalt  }
0x78: {  	_ =	shalt  }
0x79: {  	_ =	shalt  }
0x7a: {  	_ =	shalt  }
0x7b: {  	_ =	shalt  }
0x7c: {  	_ =	shalt  }
0x7d: {  	_ =	shalt  }
0x7e: {  	_ =	shalt  }
0x7f: {  	_ =	shalt  }
0x80: {  	_ =	shalt  }
0x81: {  	_ =	shalt  }
0x82: {  	_ =	shalt  }
0x83: {  	_ =	shalt  }
0x84: {  	_ =	shalt  }
0x85: {  	_ =	shalt  }
0x86: {  	_ =	shalt  }
0x87: {  	_ =	shalt  }
.Lfunc_end0:
.L_simem_size_0:
called_computation_lowered:
.L_overlay_start_0:
0x88: {  	s2 =	sld [smem:$0x3FD9]  }
0x89: {  	s3 =	sld [smem:$0x3FFE];
	_ =	sdelay $0x1  }
0x8a: {  	s1 =	srdreg.scid  }
0x8b: {  	s0 =	sand.u32 $0x1, s1  }
0x8c: {  	s16 =	sshll.u32 s0, $0xA;
	s2 =	sadd.s32 s3, s2  }
0x8d: {  	s2 =	sadd.s32 s2, s16  }
0x8e: {  	[smem:$0x3FC5] =	sst s2  }
0x8f: {  	_ = 	snop  }
0x90: {  	(tm) =	ssettm $0x1  }
0x91: {  	s17 =	sld [smem:$0x3FFB];
	_ =	sdelay $0x3  }
0x92: {  	_ =	strace s17  }
0x93: {  	s2 =	sld [smem:$0x3FFC];
	_ =	sdelay $0x3  }
0x94: {  	_ =	strace s2  }
0x95: {  	s2 =	sld [smem:$0x3FFD];
	_ =	sdelay $0x3  }
0x96: {  	_ =	strace s2  }
0x97: {  	_ =	strace $0x8FFFFFFF  }
0x98: {  	s18 =	sld [smem:$0x3FDB];
	_ =	sdelay $0x1  }
0x99: {  	s19 =	simm.s32 $_scs_section_size  }
0x9a: {  	s4 =	simm.s32 $_size__tile_overlayer_lowered;
	s5 =	simm.s32 $_tile_overlayer_lowered  }
0x9b: {  	s22 =	simm.s32 $0x1BFF;
	s21 =	sshll.u32 s5, $0x1;
	s2 =	sadd.s32 s19, s18  }
0x9c: {  	s6 =	simm.s32 $0x0;
	s20 =	sshll.u32 s4, $0x1;
	s4 =	sadd.s32 s21, s2  }
0x9d: {  	[timem:s6], [sflag:s22] =	dma.local [hbm:s4], s20  }
0x9e: {  	_ =	swait.ge [sflag:s22], s20  }
0x9f: {  	s3 =	ssub.s32 $0x0, s20;
	[sflag:s22] =	ssyncset.done $0x0  }
0xa0: {  	[sflag:s22] =	ssyncadd.s32 s3;
	_ =	sdelay $0x1  }
0xa1: {  	s23 =	simm.s32 $0x1B8B  }
0xa2: {  	_ =	swait.ge [sflag:s23], $0x1  }
0xa3: {  	[sflag:s23] =	ssyncset.done $0x0  }
0xa4: {  	s25 =	simm.s32 $0x1B8E;
	s24 =	sld [smem:$0x3FFE];
	[sflag:s23] =	ssyncadd.s32 $0xFFFFFFFF  }
0xa5: {  	s26 =	simm.s32 $execute0_lowered;
	[smem:$0x3FD2] =	sst s25  }
0xa6: {  	s4 =	sshll.u32 s26, $0x1;
	_ =	strace $0x80000046;
	[dreg:$0x1] =	wrdreg $0xFFFFFFFF  }
0xa7: {  	s28 =	simm.s32 $_size_execute0_lowered;
	s2 =	sadd.s32 s2, s4;
	[dreg:$0x0] =	wrdreg $0x0  }
0xa8: {  	s4 =	sshll.u32 s28, $0x1;
	[dreg:$0x2] =	wrdreg s2  }
0xa9: {  	[dreg:$0x3] =	wrdreg s4  }
0xaa: {  	[dreg:$0x4] =	wrdreg $0xC0  }
0xab: {  	_ =	task [dreg:s6], $0x5FFFF  }
0xac: {  	[dreg:$0x1] =	wrdreg $0xFFFFFFFF  }
0xad: {  	[dreg:$0x0] =	wrdreg $0x60  }
0xae: {  	[dreg:$0x2] =	wrdreg s24  }
0xaf: {  	[dreg:$0x3] =	wrdreg $0x9  }
0xb0: {  	_ =	task.clear_ibuf [dreg:s6], $0x4FFFF;
	_ =	strace $0x90000046  }
0xb1: {  	s29 =	simm.s32 $0x9;
	_ =	strace $0x80000048  }
0xb2: {  	_ =	swait.ge [sflag:s29], $0x1  }
0xb3: {  	[sflag:s29] =	ssyncadd.s32 $0xFFFFFFFF  }
0xb4: {  	_ =	strace $0x90000048  }
0xb5: {  	_ =	sfence  }
0xb6: {  	s30 =	sld [smem:$0x0];
	_ =	sdelay $0x2  }
0xb7: {  	s31 =	sshll.u32 s1, $0xD;
	s1 =	sshrl.u32 s1, $0x2  }
0xb8: {  	s3 =	sand.u32 $0x4000, s31;
	s1 =	sadd.s32 s1, s30  }
0xb9: {  	s0 =	sor.u32 s3, s0;
	s1 =	sshll.u32 s1, $0x11  }
0xba: {  	s0 =	sor.u32 s1, s0  }
0xbb: {  	s0 =	sadd.s32 $0x8F2B, s0  }
0xbc: {  	[sflag:s0] =	ssyncadd.remote.s32 $0x1  }
0xbd: {  	_ =	sfence.sel $0xFFFF  }
0xbe: {  	[dreg:$0x0] =	wrdreg $0xFFFFFFFF;
	(pc) =	sbr.abs _section_cstart, $3  }
0xbf: {  	[dreg:$0x1] =	wrdreg $0xFFFFFFFF  }
0xc0: {  	_ =	task.clear_ibuf [dreg:s6], $0x2FFFF;
	_ =	strace $0x9FFFFFFF  }
0xc1: {  	(tm) =	ssettm $0x7FFFFFFF  }
tec
execute0_lowered:
.L_overlay_start_1:
0x0: {  	(tag) =	ssettag $0x1  }
0x1: {  	s4 =	rddreg [dreg:$0x0]  }
0x2: {  	s0 =	rddreg [dreg:$0x1]  }
0x3: {  	s3 =	srdreg.scid;
	s1 =	stileid.u32  }
0x4: {  	s2 =	simm.s32 $0x0;
	s3 =	sand.u32 $0x1, s3;
	s5 =	sshll.u32 s1, $0x1  }
0x5: {  	s8 =	simm.s32 $0x0;
	[smem:$0x7FF] =	sst s2;
	s5 =	sor.u32 s3, s5  }
0x6: {  	s3 =	ssub.s32 $0x2, s3;
	_ =	strace $0x80000047;
	s6 =	sshll.u32 s5, $0x10  }
0x7: {  	s7 =	sshrl.u32 s3, $0x1;
	s5 =	sshll.u32 s5, $0x4;
	s6 =	sadd.s32 s6, s4  }
0x8: {  	s7 =	ssub.s32 s3, s7;
	s4 =	sadd.s32 s4, s5;
	s3 =	sadd.s32 $0x400000, s6  }
0x9: {  	v63 =	vimm.s32 $0x1;
	v2 =	vimm.s32 $0x0;
	v48 =	vimm.f32 $0.0e+00;
	s5 =	smax.u32 s7, $0x1;
	s6 =	simm.s32 $0x1;
	s7 =	simm.s32 $0x10000  }
.LBB2_1:
0xa: {  	v3 =	vimm.f32 $0.0e+00;
	v6 =	vimm.f32 $0.0e+00  }
0xb: {  	v1 =	vimm.f32 $0.0e+00;
	v0 =	vimm.f32 $0.0e+00;
	v61 =	vimm.f32 $0.0e+00  }
0xc: {  	v62 =	vimm.f32 $0.0e+00;
	v18 =	vimm.f32 $0.0e+00;
	v19 =	vimm.f32 $0.0e+00;
	s9 =	simm.s32 $0x0  }
.LBB2_2:
0xd: {  	[tilespmem:$0x1FF00] =	vst v0;
	s10 =	sshll.u32 s9, $0xD  }
0xe: {  	[tilespmem:$0x1FF10] =	vst v1;
	s10 =	sadd.s32 s10, s3  }
0xf: {  	[tilespmem:s2], [sflag:$0x1] =	stream.linear.gather [hbm4b:s10+s2], $0x10000, $0x38;
	[tilespmem:$0x10080] =	vst v63  }
0x10: {  	_ =	swait.ge [sflag:s6], $0x10000  }
0x11: {  	[sflag:s6] =	ssyncset.done $0x0  }
0x12: {  	s31 =	simm.s32 $0x100;
	[sflag:s6] =	ssyncadd.s32 $0xFFFF0000  }
0x13: {  	v24 =	vld [tilespmem:s31+$0xC0]  }
0x14: {  	v25 =	vld [tilespmem:s31+$0xD0]  }
0x15: {  	v29 =	vld [tilespmem:s31+$0xE0]  }
0x16: {  	v32 =	vld [tilespmem:s31+$0xF0]  }
0x17: {  	v33 =	vld [tilespmem:s31+$0x80]  }
0x18: {  	v34 =	vld [tilespmem:s31+$0x90]  }
0x19: {  	v35 =	vld [tilespmem:s31+$0xA0]  }
0x1a: {  	v16 =	vld [tilespmem:s31+$0xB0]  }
0x1b: {  	v12 =	vld [tilespmem:s31+$0x40]  }
0x1c: {  	v31 =	vld [tilespmem:s31+$0x50]  }
0x1d: {  	v28 =	vld [tilespmem:s31+$0x60]  }
0x1e: {  	v52 =	vld [tilespmem:s31+$0x70]  }
0x1f: {  	v21 =	vld [tilespmem:s31+$0x0]  }
0x20: {  	v20 =	vld [tilespmem:s31+$0x10]  }
0x21: {  	v11 =	vld [tilespmem:s31+$0x20]  }
0x22: {  	v17 =	vld [tilespmem:s31+$0x30]  }
0x23: {  	v1 =	vld [tilespmem:s31+$0xFFFFFFC0]  }
0x24: {  	v0 =	vld [tilespmem:s31+$0xFFFFFFD0]  }
0x25: {  	v4 =	vld [tilespmem:s31+$0xFFFFFFE0]  }
0x26: {  	v5 =	vld [tilespmem:s31+$0xFFFFFFF0];
	v23 =	vmax.f32 v24, v25;
	v26 =	vmin.f32 v24, v25;
	v30 =	vmax.f32 v33, v34  }
0x27: {  	v38 =	vmax.f32 v29, v32;
	v39 =	vmin.f32 v29, v32;
	v14 =	vmin.f32 v33, v34  }
0x28: {  	v41 =	vmax.f32 v35, v16;
	v42 =	vmin.f32 v35, v16;
	v43 =	vmax.f32 v12, v31  }
0x29: {  	v44 =	vmin.f32 v12, v31;
	v45 =	vmax.f32 v28, v52;
	v46 =	vmax.f32 v21, v20  }
0x2a: {  	v7 =	vmovc v19;
	v47 =	vmin.f32 v21, v20;
	v19 =	vmin.f32 v28, v52;
	v49 =	vmax.f32 v1, v0  }
0x2b: {  	v8 =	vmovc v18;
	v15 =	vld [tilespmem:s31+$0xFFFFFF80];
	v50 =	vmax.f32 v11, v17;
	v18 =	vmin.f32 v1, v0;
	v60 =	vmax.f32 v4, v5  }
0x2c: {  	v9 =	vld [tilespmem:s31+$0xFFFFFF90];
	v51 =	vmax.f32 v23, v38;
	v23 =	vmin.f32 v23, v38;
	v54 =	vmax.f32 v26, v39  }
0x2d: {  	v10 =	vld [tilespmem:s31+$0xFFFFFFA0];
	v55 =	vmax.f32 v30, v41;
	v41 =	vmin.f32 v30, v41;
	v14 =	vmax.f32 v14, v42  }
0x2e: {  	v59 =	vld [tilespmem:s31+$0xFFFFFF60];
	v42 =	vmax.f32 v43, v45;
	v43 =	vmin.f32 v43, v45;
	v23 =	vmax.f32 v23, v54  }
0x2f: {  	v37 =	vld [tilespmem:s31+$0xFFFFFF70];
	v44 =	vmax.f32 v44, v19;
	v14 =	vmax.f32 v41, v14;
	(xrf1) =	vsort.dscd.msk.f32 $0xffff, v51, v23  }
0x30: {  	v13 =	vld [tilespmem:s31+$0xFFFFFFB0];
	v53 =	vmin.f32 v4, v5;
	v43 =	vmax.f32 v43, v44;
	(xrf1) =	vsort.dscd.msk.f32 $0xffff, v55, v14  }
0x31: {  	v22 =	vld [tilespmem:s31+$0xFFFFFF40];
	v45 =	vmin.f32 v11, v17;
	v56 =	vmax.f32 v46, v50;
	(xrf1) =	vsort.dscd.msk.f32 $0xffff, v42, v43  }
0x32: {  	v36 =	vld [tilespmem:s31+$0xFFFFFF30];
	v46 =	vmin.f32 v46, v50;
	v57 =	vmax.f32 v49, v60;
	v45 =	vmax.f32 v47, v45  }
0x33: {  	v30 =	vld [tilespmem:s31+$0xFFFFFF50];
	v38 =	vmin.f32 v49, v60;
	v54 =	vmin.f32 v15, v9;
	v45 =	vmax.f32 v46, v45  }
0x34: {  	v49 =	vld [tilespmem:s31+$0xFFFFFF00];
	v41 =	vmax.f32 v18, v53;
	v53 =	vmin.f32 v59, v37;
	(xrf1) =	vsort.dscd.msk.f32 $0xffff, v56, v45  }
0x35: {  	v60 =	vld [tilespmem:s31+$0xFFFFFF20];
	v18 =	vadd.f32 v31, v20;
	v23 =	vmax.f32 v15, v9;
	v55 =	vmax.f32 v10, v13  }
0x36: {  	v46 =	vld [tilespmem:s31+$0xFFFFFF10];
	v38 =	vmax.f32 v38, v41;
	v14 =	vmin.f32 v10, v13;
	v51 =	vmax.f32 v23, v55  }
0x37: {  	v23 =	vmin.f32 v23, v55;
	v39 =	vmax.f32 v54, v14;
	v54 =	vmax.f32 v59, v37  }
0x38: {  	v42 =	vmax.f32 v22, v30;
	v58 =	vmin.f32 v22, v30;
	v23 =	vmax.f32 v23, v39  }
0x39: {  	v44 =	vmax.f32 v58, v53;
	v55 =	vmin.f32 v42, v54;
	(xrf1) =	vsort.dscd.msk.f32 $0xffff, v57, v38  }
0x3a: {  	v56 =	vmax.f32 v42, v54;
	v58 =	vmax.f32 v60, v36;
	(xrf1) =	vsort.dscd.msk.f32 $0xffff, v51, v23  }
0x3b: {  	v23 =	vmax.f32 v49, v46;
	v50 =	vmin.f32 v49, v46;
	v51 =	vmin.f32 v60, v36  }
0x3c: {  	v57 =	vmax.f32 v55, v44;
	v42 =	vmin.f32 v23, v58;
	v39 =	vmax.f32 v50, v51  }
0x3d: {  	v19 =	vimm.s32 $0x0;
	(xrf1) =	vsort.dscd.msk.f32 $0xffff, v56, v57;
	v23 =	vmax.f32 v23, v58;
	v39 =	vmax.f32 v42, v39;
	v54, v53, _ =	vpop (xrf1)  }
0x3e: {  	v42 =	vadd.f32 v0, v9;
	v41 =	vperm.xlane v54, v63;
	v43 =	vperm.xlane v53, v2;
	v56, v55, _ =	vpop (xrf1)  }
0x3f: {  	v14 =	vimm.s32 $0x0;
	(xrf1) =	vsort.dscd.msk.f32 $0xffff, v23, v39;
	v57 =	vperm.xlane v56, v63;
	v58 =	vperm.xlane v55, v2;
	v51, v50, _ =	vpop (xrf1)  }
0x40: {  	v23 =	vadd.f32 v24, v33;
	v53 =	vperm.xlane v51, v63;
	v55 =	vmax.f32 v41, v43  }
0x41: {  	v54 =	vperm.xlane v50, v2;
	v58 =	vmax.f32 v57, v58;
	vm1 =	vge.f32 v24, v55  }
0x42: {  	v47, v45, _ =	vpop (xrf1);
	v24 =	vadd.f32 v25, v34;
	vm4 =	vge.f32 v25, v55;
	vm0 =	vge.f32 v29, v55  }
0x43: {  	v25 =	vadd.f32 v29, v35;
	v50 =	vperm.xlane v45, v2;
	vm13 =	vge.f32 v32, v55  }
0x44: {  	v29 =	vadd.f32 v32, v16;
	v55 =	vadd.f32 v22, v49;
	v56 =	vmax.f32 v53, v54  }
0x45: {  	vm5 =	vge.f32 v33, v58;
	v14 =	vsel vm0, $0xFFFFFFFF, v14;
	v33 =	vperm.xlane v47, v63  }
0x46: {  	vm0 =	vge.f32 v34, v58;
	v54 =	vadd.f32 v4, v10;
	[tilespmem:$0x1FF20] =	vst v14;
	v14 =	vimm.s32 $0x0  }
0x47: {  	v45 =	vsel vm1, $0x3F800000, v48;
	v39 =	vsel vm4, $0x3F800000, v48;
	v14 =	vsel vm0, $0xFFFFFFFF, v14  }
0x48: {  	v53 =	vimm.s32 $0x0;
	vm0 =	vge.f32 v35, v58;
	[tilespmem:$0x1FF30] =	vst v14;
	v14 =	vimm.s32 $0x0  }
0x49: {  	v14 =	vsel vm0, $0xFFFFFFFF, v14;
	vm0 =	vge.f32 v16, v58;
	v16 =	vimm.s32 $0x0  }
0x4a: {  	vm14 =	vge.f32 v12, v56;
	vm2 =	vge.f32 v28, v56;
	v16 =	vsel vm0, $0xFFFFFFFF, v16  }
0x4b: {  	v27, v51, _ =	vpop (xrf1);
	v41 =	vsel vm5, $0x3F800000, v48;
	v33 =	vmax.f32 v33, v50;
	v35 =	vadd.f32 v5, v13  }
0x4c: {  	v50 =	vimm.s32 $0x0;
	vm3 =	vge.f32 v20, v33;
	vm6 =	vge.f32 v11, v33;
	v58, v57, _ =	vpop (xrf1);
	[tilespmem:$0x1FF40] =	vst v14  }
0x4d: {  	v14 =	vadd.f32 v12, v21;
	vm0 =	vge.f32 v31, v56;
	v31 =	vadd.f32 v1, v15;
	[tilespmem:$0x1FF50] =	vst v16;
	v16, v12, _ =	vpop (xrf1)  }
0x4e: {  	v20 =	vperm.xlane v57, v2;
	v26 =	vperm.xlane v16, v63;
	v16 =	vimm.s32 $0x0  }
0x4f: {  	v57 =	vadd.f32 v59, v60;
	v12 =	vperm.xlane v12, v2;
	v16 =	vsel vm2, $0xFFFFFFFF, v16  }
0x50: {  	vm2 =	vge.f32 v52, v56;
	v56 =	vadd.f32 v30, v46;
	[tilespmem:$0x1FF60] =	vst v16;
	v16 =	vadd.f32 v28, v11  }
0x51: {  	v19 =	vsel vm2, $0xFFFFFFFF, v19;
	v26 =	vmax.f32 v26, v12;
	vm2 =	vge.f32 v21, v33  }
0x52: {  	v11 =	vimm.s32 $0x0;
	v21 =	vperm.xlane v27, v63;
	v27 =	vperm.xlane v51, v2  }
0x53: {  	v12 =	vimm.s32 $0x0;
	v51 =	vimm.s32 $0x0;
	[tilespmem:$0x1FF70] =	vst v19;
	v19 =	vadd.f32 v52, v17  }
0x54: {  	v11 =	vsel vm6, $0xFFFFFFFF, v11;
	vm6 =	vge.f32 v17, v33;
	v52 =	vimm.s32 $0x0  }
0x55: {  	v17, v28, _ =	vpop (xrf1);
	vm9 =	vge.f32 v22, v26;
	vm7 =	vge.f32 v30, v26;
	[tilespmem:$0x1FF80] =	vst v11;
	v11 =	vperm.xlane v58, v63  }
0x56: {  	v12 =	vsel vm6, $0xFFFFFFFF, v12;
	v17 =	vperm.xlane v17, v63;
	v28 =	vperm.xlane v28, v2  }
0x57: {  	v58 =	vadd.f32 v37, v36;
	v34 =	vmax.f32 v11, v20;
	v11 =	vmax.f32 v21, v27  }
0x58: {  	v63 =	vimm.s32 $0x0;
	v17 =	vmax.f32 v17, v28;
	vm1 =	vge.f32 v4, v11  }
0x59: {  	[tilespmem:$0x1FF90] =	vst v12;
	vm10 =	vge.f32 v0, v11;
	v0 =	vsel vm1, $0xFFFFFFFF, v50;
	vm1 =	vge.f32 v5, v11  }
0x5a: {  	vm12 =	vge.f32 v1, v11;
	[tilespmem:$0x1FFA0] =	vst v0;
	v0 =	vsel vm1, $0xFFFFFFFF, v51;
	vm1 =	vge.f32 v10, v34  }
0x5b: {  	vm11 =	vge.f32 v15, v34;
	[tilespmem:$0x1FFB0] =	vst v0;
	v0 =	vsel vm1, $0xFFFFFFFF, v52;
	vm1 =	vge.f32 v13, v34  }
0x5c: {  	[tilespmem:$0x1FFC0] =	vst v0;
	v0 =	vsel vm1, $0xFFFFFFFF, v53;
	vm1 =	vge.f32 v59, v26;
	v59 =	vimm.s32 $0x0  }
0x5d: {  	vm8 =	vge.f32 v9, v34;
	[tilespmem:$0x1FFD0] =	vst v0;
	v0 =	vsel vm1, $0xFFFFFFFF, v59;
	vm1 =	vge.f32 v37, v26  }
0x5e: {  	vm6 =	vge.f32 v49, v17;
	vm5 =	vge.f32 v46, v17;
	[tilespmem:$0x1FFE0] =	vst v0;
	v0 =	vsel vm1, $0xFFFFFFFF, v63  }
0x5f: {  	s11 =	simm.s32 $0x300;
	s10 =	simm.s32 $0x0;
	v47 =	vmovc v6;
	vm4 =	vge.f32 v60, v17;
	v46 =	vmov v3;
	vm1 =	vge.f32 v36, v17;
	[tilespmem:$0x1FFF0] =	vst v0  }
.LBB2_3:
0x60: {  	v1 =	vld [tilespmem:s11+$0xC0]  }
0x61: {  	v0 =	vld [tilespmem:$0x1FF30]  }
0x62: {  	v11 =	vld [tilespmem:s11+$0xE0]  }
0x63: {  	v38 =	vld [tilespmem:s11+$0xF0]  }
0x64: {  	v15 =	vld [tilespmem:s11+$0x80]  }
0x65: {  	v17 =	vld [tilespmem:s11+$0xA0]  }
0x66: {  	v36 =	vld [tilespmem:$0x1FF00]  }
0x67: {  	v40 =	vld [tilespmem:$0x1FF10]  }
0x68: {  	v12 =	vsel vm14, $0x3F800000, v48;
	v37 =	vsel vm0, $0x3F800000, v48;
	v43 =	vld [tilespmem:$0x1FFE0]  }
0x69: {  	v32 =	vsel vm12, $0x3F800000, v48;
	v13 =	vsel vm2, $0x3F800000, v48;
	v20 =	vsel vm3, $0x3F800000, v48;
	v49 =	vld [tilespmem:$0x1FFD0]  }
0x6a: {  	v22 =	vsel vm6, $0x3F800000, v48;
	v50 =	vld [tilespmem:$0x1FFA0];
	v6 =	vadd.f32 v55, v7;
	v5 =	vadd.f32 v56, v8  }
0x6b: {  	v26 =	vsel vm5, $0x3F800000, v48;
	v51 =	vld [tilespmem:$0x1FFB0];
	v4 =	vadd.f32 v57, v62;
	v3 =	vadd.f32 v58, v61  }
0x6c: {  	v33 =	vsel vm10, $0x3F800000, v48;
	v52 =	vld [tilespmem:$0x1FF80];
	v10 =	vadd.f32 v22, v36;
	v9 =	vadd.f32 v26, v40  }
0x6d: {  	v27 =	vsel vm9, $0x3F800000, v48;
	v53 =	vld [tilespmem:$0x1FF90];
	v6 =	vadd.f32 v31, v6;
	v5 =	vadd.f32 v42, v5  }
0x6e: {  	v28 =	vsel vm7, $0x3F800000, v48;
	v55 =	vld [tilespmem:$0x1FF70];
	v4 =	vadd.f32 v54, v4;
	v3 =	vadd.f32 v35, v3  }
0x6f: {  	v30 =	vsel vm11, $0x3F800000, v48;
	v22 =	vld [tilespmem:s11+$0x10];
	v10 =	vadd.f32 v27, v10;
	v9 =	vadd.f32 v28, v9  }
0x70: {  	vm0 =	vnez.u8 v0;
	v26 =	vld [tilespmem:s11+$0x20];
	v6 =	vadd.f32 v14, v6;
	v5 =	vadd.f32 v18, v5  }
0x71: {  	v40 =	vld [tilespmem:s11+$0xFFFFFFB0];
	v31 =	vsel vm8, $0x3F800000, v48;
	v4 =	vadd.f32 v16, v4;
	v3 =	vadd.f32 v19, v3  }
0x72: {  	v44 =	vsel vm0, $0x3F800000, v48;
	v42 =	vld [tilespmem:s11+$0x90];
	v10 =	vadd.f32 v30, v10;
	v9 =	vadd.f32 v31, v9  }
0x73: {  	vm0 =	vnez.u8 v43;
	v28 =	vld [tilespmem:s11+$0x30];
	v62 =	vadd.f32 v23, v6;
	v63 =	vadd.f32 v24, v5  }
0x74: {  	v18 =	vld [tilespmem:s11+$0xB0];
	v34 =	vadd.f32 v25, v4;
	v35 =	vadd.f32 v29, v3;
	v24 =	vsel vm1, $0x3F800000, v48  }
0x75: {  	v23 =	vsel vm4, $0x3F800000, v48;
	v7 =	vadd.f32 v24, v46;
	v46 =	vld [tilespmem:$0x1FFF0];
	v10 =	vadd.f32 v32, v10  }
0x76: {  	v29 =	vmax.f32 v11, v38;
	v8 =	vadd.f32 v23, v47;
	v47 =	vld [tilespmem:$0x1FFC0];
	v9 =	vadd.f32 v33, v9  }
0x77: {  	[tilespmem:$0x1FDD0] =	vst v38;
	v38 =	vmin.f32 v11, v38;
	v23 =	vsel vm0, $0x3F800000, v48;
	v33 =	vld [tilespmem:s11+$0xFFFFFF80];
	v10 =	vadd.f32 v13, v10  }
0x78: {  	v25 =	vmax.f32 v15, v42;
	[tilespmem:$0x1FE70] =	vst v35;
	v35 =	vld [tilespmem:s11+$0xFFFFFF90];
	v8 =	vadd.f32 v23, v8;
	v9 =	vadd.f32 v20, v9  }
0x79: {  	v19 =	vld [tilespmem:s11+$0x40];
	v43 =	vmax.f32 v17, v18;
	v36 =	vmin.f32 v17, v18;
	v10 =	vadd.f32 v12, v10  }
0x7a: {  	v30 =	vld [tilespmem:s11+$0xFFFFFFC0];
	[tilespmem:$0x1FE50] =	vst v63;
	v63 =	vmovc v42;
	v42 =	vmin.f32 v15, v42;
	v9 =	vadd.f32 v37, v9;
	vm0 =	vnez.u8 v46  }
0x7b: {  	v5 =	vld [tilespmem:s11+$0x50];
	v24 =	vsel vm0, $0x3F800000, v48;
	vm0 =	vnez.u8 v47;
	v10 =	vadd.f32 v41, v10  }
0x7c: {  	v31 =	vld [tilespmem:s11+$0xFFFFFFD0];
	v9 =	vadd.f32 v44, v9;
	v23 =	vsel vm0, $0x3F800000, v48;
	vm0 =	vnez.u8 v49  }
0x7d: {  	v3 =	vld [tilespmem:s11+$0x60];
	v0 =	vmin.f32 v33, v35;
	v7 =	vadd.f32 v24, v7;
	v24 =	vsel vm0, $0x3F800000, v48  }
0x7e: {  	v37 =	vld [tilespmem:s11+$0xFFFFFFA0];
	v8 =	vadd.f32 v23, v8;
	vm0 =	vnez.u8 v50;
	v59 =	vadd.f32 v45, v10  }
0x7f: {  	v4 =	vld [tilespmem:s11+$0x70];
	v60 =	vadd.f32 v39, v9;
	v23 =	vsel vm0, $0x3F800000, v48;
	vm0 =	vnez.u8 v51  }
0x80: {  	v54 =	vld [tilespmem:$0x1FF60];
	v16 =	vmovc v63;
	v7 =	vadd.f32 v24, v7;
	v51 =	vmax.f32 v19, v5;
	v24 =	vsel vm0, $0x3F800000, v48  }
0x81: {  	v6 =	vld [tilespmem:s11+$0x0];
	v63 =	vmovc v31;
	v8 =	vadd.f32 v23, v8;
	vm0 =	vnez.u8 v52;
	[tilespmem:$0x1FF00] =	vst v59;
	v52 =	vmin.f32 v19, v5  }
0x82: {  	v56 =	vld [tilespmem:$0x1FF40];
	[tilespmem:$0x1FF10] =	vst v60;
	v59 =	vmin.f32 v26, v28;
	v60 =	vmin.f32 v30, v63;
	v63 =	vmax.f32 v33, v35  }
0x83: {  	v20 =	vmovc v5;
	v44 =	vld [tilespmem:s11+$0xFFFFFF40];
	v5 =	vmin.f32 v37, v40;
	v7 =	vadd.f32 v24, v7;
	v23 =	vsel vm0, $0x3F800000, v48  }
0x84: {  	v41 =	vld [tilespmem:s11+$0xFFFFFF50];
	vm0 =	vnez.u8 v53;
	v53 =	vmax.f32 v3, v4;
	v0 =	vmax.f32 v0, v5  }
0x85: {  	v57 =	vld [tilespmem:$0x1FF50];
	v24 =	vsel vm0, $0x3F800000, v48;
	v8 =	vadd.f32 v23, v8;
	vm0 =	vnez.u8 v54  }
0x86: {  	v58 =	vld [tilespmem:$0x1FF20];
	v54 =	vmax.f32 v6, v22;
	v23 =	vsel vm0, $0x3F800000, v48;
	vm0 =	vnez.u8 v55  }
0x87: {  	v2 =	vld [tilespmem:s11+$0xD0];
	v7 =	vadd.f32 v24, v7;
	v55 =	vmin.f32 v6, v22;
	v24 =	vsel vm0, $0x3F800000, v48  }
0x88: {  	[tilespmem:$0x1FDE0] =	vst v3;
	v46 =	vld [tilespmem:s11+$0xFFFFFF70];
	v8 =	vadd.f32 v23, v8;
	vm0 =	vnez.u8 v56;
	v56 =	vmin.f32 v3, v4  }
0x89: {  	[tilespmem:$0x1FE00] =	vst v4;
	v39 =	vld [tilespmem:s11+$0xFFFFFF60];
	v3 =	vmax.f32 v44, v41;
	v4 =	vmin.f32 v44, v41;
	v7 =	vadd.f32 v24, v7  }
0x8a: {  	v23 =	vsel vm0, $0x3F800000, v48;
	vm0 =	vnez.u8 v57;
	v57 =	vmax.f32 v30, v31  }
0x8b: {  	[tilespmem:$0x1FDC0] =	vst v11;
	v45 =	vmax.f32 v52, v56;
	v24 =	vsel vm0, $0x3F800000, v48;
	vm0 =	vnez.u8 v58  }
0x8c: {  	v27 =	vmovc v15;
	[tilespmem:$0x1FE40] =	vst v40;
	v32 =	vld [tilespmem:s11+$0xFFFFFFE0];
	v8 =	vadd.f32 v23, v8;
	v58 =	vmax.f32 v26, v28;
	v23 =	vsel vm0, $0x3F800000, v48  }
0x8d: {  	v14 =	vmovc v1;
	[tilespmem:$0x1FE60] =	vst v34;
	v34 =	vld [tilespmem:s11+$0xFFFFFFF0];
	v7 =	vadd.f32 v24, v7;
	v24 =	vsel vm13, $0x3F800000, v48;
	v52 =	vmin.f32 v54, v58  }
0x8e: {  	[tilespmem:$0x1FED0] =	vst v62;
	v61 =	vadd.f32 v23, v8;
	v23 =	vmax.f32 v1, v2;
	v8 =	vmin.f32 v39, v46  }
0x8f: {  	[tilespmem:$0x1FE10] =	vst v28;
	v62 =	vadd.f32 v24, v7;
	v24 =	vmin.f32 v1, v2;
	v1 =	vmax.f32 v37, v40  }
0x90: {  	v13 =	vmovc v2;
	v7 =	vmax.f32 v39, v46;
	v11 =	vmax.f32 v23, v29;
	v23 =	vmin.f32 v23, v29  }
0x91: {  	v15 =	vmovc v17;
	v29 =	vmax.f32 v25, v43;
	v25 =	vmin.f32 v25, v43;
	v43 =	vmin.f32 v51, v53  }
0x92: {  	[tilespmem:$0x1FEB0] =	vst v61;
	v61 =	vmax.f32 v32, v34;
	v24 =	vmax.f32 v24, v38;
	v38 =	vmax.f32 v42, v36  }
0x93: {  	[tilespmem:$0x1FE20] =	vst v31;
	v42 =	vmax.f32 v51, v53;
	v51 =	vmax.f32 v54, v58;
	v53 =	vmax.f32 v55, v59  }
0x94: {  	v17 =	vld [tilespmem:s11+$0xFFFFFF10];
	v21 =	vmovc v6;
	v40 =	vmax.f32 v63, v1;
	v1 =	vmin.f32 v63, v1;
	v23 =	vmax.f32 v23, v24  }
0x95: {  	v12 =	vld [tilespmem:$0x1FDE0];
	[tilespmem:$0x1FEC0] =	vst v62;
	v62 =	vmin.f32 v32, v34;
	v5 =	vmax.f32 v25, v38;
	(xrf1) =	vsort.dscd.msk.f32 $0xffff, v11, v23  }
0x96: {  	v47 =	vld [tilespmem:s11+$0xFFFFFF00];
	[tilespmem:$0x1FE30] =	vst v34;
	v54 =	vmax.f32 v57, v61;
	v23 =	vmax.f32 v43, v45;
	(xrf1) =	vsort.dscd.msk.f32 $0xffff, v29, v5  }
0x97: {  	v49 =	vld [tilespmem:s11+$0xFFFFFF20];
	v34 =	vmovc v32;
	v36 =	vmin.f32 v57, v61;
	v5 =	vmax.f32 v52, v53;
	(xrf1) =	vsort.dscd.msk.f32 $0xffff, v42, v23  }
0x98: {  	v50 =	vld [tilespmem:s11+$0xFFFFFF30];
	v32 =	vmovc v37;
	v0 =	vmax.f32 v1, v0;
	v37 =	vmax.f32 v60, v62;
	(xrf1) =	vsort.dscd.msk.f32 $0xffff, v51, v5  }
0x99: {  	v31 =	vmovc v26;
	v11 =	vmax.f32 v3, v7;
	v3 =	vmin.f32 v3, v7;
	v7 =	vmax.f32 v36, v37  }
0x9a: {  	v28 =	vmovc v16;
	v24 =	vadd.f32 v13, v16;
	v16 =	vadd.f32 v12, v31;
	v31 =	vld [tilespmem:$0x1FE10];
	(xrf1) =	vsort.dscd.msk.f32 $0xffff, v54, v7  }
0x9b: {  	v4 =	vmax.f32 v4, v8;
	v38 =	vadd.f32 v14, v27;
	v53 =	vmovc v14;
	v14 =	vld [tilespmem:$0x1FDD0];
	(xrf1) =	vsort.dscd.msk.f32 $0xffff, v40, v0  }
0x9c: {  	[tilespmem:$0x1FE80] =	vst v6;
	v9 =	vmin.f32 v47, v17;
	v6 =	vmax.f32 v47, v17;
	v59 =	vmax.f32 v3, v4;
	v52 =	vld [tilespmem:$0x1FE20]  }
0x9d: {  	[tilespmem:$0x1FE90] =	vst v26;
	v10 =	vmax.f32 v49, v50;
	v2 =	vmin.f32 v49, v50;
	v43 =	vld [tilespmem:$0x1FDC0];
	(xrf1) =	vsort.dscd.msk.f32 $0xffff, v11, v59  }
0x9e: {  	[tilespmem:$0x1FDF0] =	vst v30;
	v58 =	vmax.f32 v9, v2;
	v36 =	vld [tilespmem:$0x1FE40];
	v5 =	vmin.f32 v6, v10  }
0x9f: {  	v30 =	vmovc v22;
	v56 =	vadd.f32 v41, v17;
	v26 =	vadd.f32 v19, v21;
	v1 =	vmax.f32 v5, v58;
	v40 =	vld [tilespmem:$0x1FDF0]  }
0xa0: {  	v60 =	vmax.f32 v6, v10;
	v45 =	vmovc v18;
	v29 =	vadd.f32 v14, v18;
	v18 =	vadd.f32 v20, v22;
	v22 =	vld [tilespmem:$0x1FE00]  }
0xa1: {  	v63 =	vimm.s32 $0x1;
	v55 =	vadd.f32 v44, v47;
	v37 =	vmovc v35;
	v42 =	vadd.f32 v52, v35;
	v35 =	vld [tilespmem:$0x1FE30];
	(xrf1) =	vsort.dscd.msk.f32 $0xffff, v60, v1  }
0xa2: {  	v21 =	vmovc v19;
	v57 =	vadd.f32 v39, v49;
	v23 =	vimm.s32 $0x0;
	v54 =	vadd.f32 v34, v32  }
0xa3: {  	v51 =	vmov v15;
	v58 =	vadd.f32 v46, v50;
	v25 =	vadd.f32 v43, v15;
	v0, v1, _ =	vpop (xrf1)  }
0xa4: {  	v8 =	vadd.f32 v40, v33;
	v0 =	vperm.xlane v0, v63;
	v1 =	vperm.xlane v1, v23;
	v61, v3, _ =	vpop (xrf1)  }
0xa5: {  	v19 =	vadd.f32 v22, v31;
	v2 =	vperm.xlane v61, v63;
	v3 =	vperm.xlane v3, v23;
	v4, v5, _ =	vpop (xrf1)  }
0xa6: {  	v15 =	vadd.f32 v35, v36;
	v4 =	vperm.xlane v4, v63;
	v5 =	vperm.xlane v5, v23;
	v6, v7, _ =	vpop (xrf1)  }
0xa7: {  	v0 =	vmax.f32 v0, v1;
	v6 =	vperm.xlane v6, v63;
	v7 =	vperm.xlane v7, v23  }
0xa8: {  	[tilespmem:$0x1FEA0] =	vst v8;
	v8, v9, _ =	vpop (xrf1);
	v2 =	vmax.f32 v2, v3;
	vm0 =	vge.f32 v53, v0;
	vm13 =	vge.f32 v14, v0  }
0xa9: {  	v53 =	vimm.s32 $0x0;
	v8 =	vperm.xlane v8, v63;
	v9 =	vperm.xlane v9, v23;
	v10, v11, _ =	vpop (xrf1)  }
0xaa: {  	v4 =	vmax.f32 v4, v5;
	vm15 =	vge.f32 v27, v2;
	v10 =	vperm.xlane v10, v63  }
0xab: {  	v11 =	vperm.xlane v11, v23;
	v62, v59, _ =	vpop (xrf1);
	v1 =	vmax.f32 v6, v7;
	vm14 =	vge.f32 v21, v4  }
0xac: {  	vm1 =	vge.f32 v12, v4;
	v60 =	vperm.xlane v62, v63;
	v59 =	vperm.xlane v59, v23  }
0xad: {  	v6 =	vmax.f32 v8, v9;
	v9 =	vimm.s32 $0x0;
	vm3 =	vge.f32 v30, v1  }
0xae: {  	v5 =	vmax.f32 v10, v11;
	v9 =	vsel vm0, $0xFFFFFFFF, v9;
	vm0 =	vge.f32 v13, v0  }
0xaf: {  	v61, v62, _ =	vpop (xrf1);
	vm12 =	vge.f32 v40, v6;
	vm10 =	vge.f32 v52, v6;
	v40 =	vimm.s32 $0x0  }
0xb0: {  	v52 =	vimm.s32 $0x0;
	v61 =	vperm.xlane v61, v63;
	v62 =	vperm.xlane v62, v23  }
0xb1: {  	v3 =	vmax.f32 v60, v59;
	[tilespmem:$0x1FEE0] =	vst v9;
	v9 =	vimm.s32 $0x0;
	v60 =	vimm.s32 $0x0  }
0xb2: {  	v23 =	vmovc v38;
	v38 =	vimm.s32 $0x0;
	vm11 =	vge.f32 v33, v5;
	vm8 =	vge.f32 v37, v5  }
0xb3: {  	v9 =	vsel vm0, $0xFFFFFFFF, v9;
	vm0 =	vge.f32 v43, v0;
	v43 =	vimm.s32 $0x0  }
0xb4: {  	vm9 =	vge.f32 v44, v3;
	vm7 =	vge.f32 v41, v3;
	[tilespmem:$0x1FEF0] =	vst v9;
	v9 =	vimm.s32 $0x0  }
0xb5: {  	v59 =	vld [tilespmem:$0x1FE90];
	v41 =	vsel vm15, $0x3F800000, v48;
	v9 =	vsel vm0, $0xFFFFFFFF, v9;
	vm0 =	vge.f32 v28, v2  }
0xb6: {  	v7 =	vmax.f32 v61, v62;
	[tilespmem:$0x1FF20] =	vst v9;
	v0 =	vsel vm0, $0xFFFFFFFF, v60;
	vm0 =	vge.f32 v51, v2  }
0xb7: {  	vm6 =	vge.f32 v47, v7;
	[tilespmem:$0x1FF30] =	vst v0;
	v0 =	vsel vm0, $0xFFFFFFFF, v38;
	vm0 =	vge.f32 v45, v2  }
0xb8: {  	vm5 =	vge.f32 v17, v7;
	v45 =	vimm.s32 $0x0;
	[tilespmem:$0x1FF40] =	vst v0;
	v0 =	vsel vm0, $0xFFFFFFFF, v43  }
0xb9: {  	vm4 =	vge.f32 v49, v7;
	v51 =	vld [tilespmem:$0x1FE80];
	[tilespmem:$0x1FF50] =	vst v0;
	v0 =	vsel vm1, $0xFFFFFFFF, v45;
	vm1 =	vge.f32 v22, v4  }
0xba: {  	v60 =	vimm.s32 $0x0;
	[tilespmem:$0x1FF60] =	vst v0;
	v0 =	vsel vm1, $0xFFFFFFFF, v53;
	vm1 =	vge.f32 v59, v1  }
0xbb: {  	v8 =	vld [tilespmem:$0x1FE50];
	v38 =	vimm.s32 $0x0;
	[tilespmem:$0x1FF70] =	vst v0;
	v0 =	vsel vm1, $0xFFFFFFFF, v60;
	vm1 =	vge.f32 v31, v1  }
0xbc: {  	v43 =	vimm.s32 $0x0;
	v59 =	vld [tilespmem:$0x1FEE0];
	[tilespmem:$0x1FF80] =	vst v0;
	v0 =	vsel vm1, $0xFFFFFFFF, v38;
	vm1 =	vge.f32 v34, v6  }
0xbd: {  	s10 =	sadd.s32 $0x4, s10;
	v45 =	vimm.s32 $0x0;
	v60 =	vld [tilespmem:$0x1FEF0];
	[tilespmem:$0x1FF90] =	vst v0;
	v0 =	vsel vm1, $0xFFFFFFFF, v40;
	vm1 =	vge.f32 v35, v6  }
0xbe: {  	p0 =	slt.u32 s10, $0x1FC;
	v62 =	vld [tilespmem:$0x1FE60];
	vm2 =	vge.f32 v51, v1;
	[tilespmem:$0x1FFA0] =	vst v0;
	v0 =	vsel vm1, $0xFFFFFFFF, v43;
	vm1 =	vge.f32 v32, v5  }
.Ltmp0:
0xbf: {  	v61 =	vld [tilespmem:$0x1FE70];
	v51 =	vimm.s32 $0x0;
	[tilespmem:$0x1FFB0] =	vst v0;
	v0 =	vsel vm1, $0xFFFFFFFF, v45;
	vm1 =	vge.f32 v36, v5;
	(pc) =	sbr.rel @p0 .LBB2_3-.Ltmp0, $4  }
0xc0: {  	v47 =	vld [tilespmem:$0x1FEB0];
	v53 =	vimm.s32 $0x0;
	[tilespmem:$0x1FFC0] =	vst v0;
	v0 =	vsel vm1, $0xFFFFFFFF, v51;
	vm1 =	vge.f32 v39, v3  }
0xc1: {  	v31 =	vld [tilespmem:$0x1FEA0];
	vm15 =	vnez.u8 v59;
	[tilespmem:$0x1FFD0] =	vst v0;
	v0 =	vsel vm1, $0xFFFFFFFF, v52;
	vm1 =	vge.f32 v46, v3  }
0xc2: {  	v14 =	vmovc v26;
	v45 =	vsel vm15, $0x3F800000, v48;
	vm15 =	vnez.u8 v60;
	v46 =	vld [tilespmem:$0x1FEC0];
	[tilespmem:$0x1FFE0] =	vst v0;
	v0 =	vsel vm1, $0xFFFFFFFF, v53  }
0xc3: {  	s11 =	sadd.s32 $0x200, s11;
	vm0 =	vge.f32 v20, v4;
	v35 =	vmovc v15;
	v39 =	vsel vm15, $0x3F800000, v48;
	vm1 =	vge.f32 v50, v7;
	v7 =	vld [tilespmem:$0x1FED0];
	[tilespmem:$0x1FFF0] =	vst v0  }
0xc4: {  	v2 =	vld [tilespmem:$0x1FF30]  }
0xc5: {  	v0 =	vsel vm14, $0x3F800000, v48;
	v3 =	vsel vm12, $0x3F800000, v48;
	v4 =	vsel vm2, $0x3F800000, v48;
	v44 =	vld [tilespmem:$0x1FF00]  }
0xc6: {  	v5 =	vsel vm3, $0x3F800000, v48;
	v6 =	vsel vm10, $0x3F800000, v48;
	v8 =	vadd.f32 v56, v8;
	v49 =	vld [tilespmem:$0x1FF10]  }
0xc7: {  	v9 =	vsel vm11, $0x3F800000, v48;
	v10 =	vadd.f32 v57, v62;
	v11 =	vadd.f32 v58, v61;
	v12 =	vld [tilespmem:$0x1FFE0]  }
0xc8: {  	v20 =	vsel vm8, $0x3F800000, v48;
	v13 =	vsel vm9, $0x3F800000, v48;
	v53 =	vld [tilespmem:$0x1FFD0];
	v8 =	vadd.f32 v42, v8  }
0xc9: {  	v15 =	vsel vm7, $0x3F800000, v48;
	v56 =	vld [tilespmem:$0x1FFA0];
	v10 =	vadd.f32 v54, v10;
	v11 =	vadd.f32 v35, v11  }
0xca: {  	v43 =	vsel vm6, $0x3F800000, v48;
	v7 =	vadd.f32 v55, v7;
	v8 =	vadd.f32 v18, v8  }
0xcb: {  	v17 =	vsel vm5, $0x3F800000, v48;
	v10 =	vadd.f32 v16, v10;
	v11 =	vadd.f32 v19, v11  }
0xcc: {  	v50 =	vld [tilespmem:$0x1FFF0];
	vm15 =	vnez.u8 v2;
	vm14 =	vnez.u8 v12;
	v7 =	vadd.f32 v31, v7  }
0xcd: {  	vm5 =	vnez.u8 v53;
	v62 =	vadd.f32 v25, v10;
	v61 =	vadd.f32 v29, v11  }
0xce: {  	vm6 =	vnez.u8 v56;
	v10 =	vadd.f32 v43, v44;
	v11 =	vadd.f32 v17, v49  }
0xcf: {  	v2 =	vsel vm15, $0x3F800000, v48;
	v18 =	vadd.f32 v24, v8;
	v7 =	vadd.f32 v14, v7  }
0xd0: {  	v51 =	vld [tilespmem:$0x1FFC0];
	v8 =	vsel vm1, $0x3F800000, v48;
	v10 =	vadd.f32 v13, v10;
	v11 =	vadd.f32 v15, v11  }
0xd1: {  	v16 =	vsel vm14, $0x3F800000, v48;
	vm15 =	vnez.u8 v50;
	v19 =	vadd.f32 v23, v7  }
0xd2: {  	v57 =	vld [tilespmem:$0x1FFB0];
	v7 =	vsel vm4, $0x3F800000, v48;
	v9 =	vadd.f32 v9, v10;
	v55 =	vadd.f32 v20, v11  }
0xd3: {  	v59 =	vld [tilespmem:$0x1FF80];
	v54 =	vsel vm5, $0x3F800000, v48;
	v8 =	vadd.f32 v8, v46;
	v7 =	vadd.f32 v7, v47  }
0xd4: {  	v60 =	vld [tilespmem:$0x1FF90];
	v17 =	vsel vm15, $0x3F800000, v48;
	v3 =	vadd.f32 v3, v9;
	v6 =	vadd.f32 v6, v55  }
0xd5: {  	v8 =	vadd.f32 v17, v8;
	vm4 =	vnez.u8 v51;
	v7 =	vadd.f32 v16, v7  }
0xd6: {  	v52 =	vsel vm4, $0x3F800000, v48;
	v3 =	vadd.f32 v4, v3;
	v4 =	vadd.f32 v5, v6;
	v5 =	vld [tilespmem:$0x1FF60]  }
0xd7: {  	vm7 =	vnez.u8 v57;
	v8 =	vadd.f32 v54, v8;
	v7 =	vadd.f32 v52, v7  }
0xd8: {  	vm8 =	vnez.u8 v59;
	v58 =	vsel vm7, $0x3F800000, v48;
	v11 =	vsel vm6, $0x3F800000, v48  }
0xd9: {  	vm9 =	vnez.u8 v60;
	v8 =	vadd.f32 v58, v8;
	v7 =	vadd.f32 v11, v7  }
0xda: {  	v10 =	vsel vm9, $0x3F800000, v48;
	v9 =	vsel vm8, $0x3F800000, v48  }
0xdb: {  	vm10 =	vnez.u8 v5;
	v6 =	vadd.f32 v9, v7;
	v7 =	vadd.f32 v10, v8;
	v8 =	vld [tilespmem:$0x1FF70]  }
0xdc: {  	v1 =	vsel vm0, $0x3F800000, v48;
	v0 =	vadd.f32 v0, v3;
	v3 =	vld [tilespmem:$0x1FF40];
	v5 =	vsel vm10, $0x3F800000, v48  }
0xdd: {  	v1 =	vadd.f32 v1, v4;
	v4 =	vadd.f32 v5, v6;
	v6 =	vld [tilespmem:$0x1FF50];
	_ =	sdelay $0x1  }
0xde: {  	v1 =	vadd.f32 v2, v1;
	v2 =	vld [tilespmem:$0x1FF20]  }
0xdf: {  	s9 =	sadd.s32 $0x1, s9;
	vm11 =	vnez.u8 v8  }
0xe0: {  	p0 =	sne.s32 s9, $0x8;
	v0 =	vadd.f32 v41, v0;
	v8 =	vsel vm11, $0x3F800000, v48  }
.Ltmp1:
0xe1: {  	vm12 =	vnez.u8 v3;
	v5 =	vadd.f32 v8, v7;
	vm14 =	vnez.u8 v6;
	(pc) =	sbr.rel @p0 .LBB2_2-.Ltmp1, $4  }
0xe2: {  	v0 =	vadd.f32 v45, v0;
	v3 =	vsel vm12, $0x3F800000, v48;
	v6 =	vsel vm14, $0x3F800000, v48  }
0xe3: {  	vm15 =	vnez.u8 v2;
	v3 =	vadd.f32 v3, v4;
	v4 =	vadd.f32 v6, v5  }
0xe4: {  	v1 =	vadd.f32 v39, v1;
	v2 =	vsel vm15, $0x3F800000, v48;
	v5 =	vsel vm13, $0x3F800000, v48  }
0xe5: {  	v6 =	vadd.f32 v2, v3;
	v2 =	vimm.s32 $0x0;
	v3 =	vadd.f32 v5, v4  }
0xe6: {  	v0 =	vmul.f32 v0, v19;
	_ =	sdelay $0x1  }
0xe7: {  	v1 =	vmul.f32 v1, v18;
	v0 =	vadd.f32 $0.0e+00, v0;
	_ =	sdelay $0x1  }
0xe8: {  	v0 =	vadd.f32 v1, v0;
	v1 =	vmul.f32 v6, v62;
	_ =	sdelay $0x1  }
0xe9: {  	v0 =	vadd.f32 v1, v0;
	v1 =	vmul.f32 v3, v61;
	_ =	sdelay $0x1  }
0xea: {  	s8 =	sadd.s32 $0x1, s8;
	v0 =	vadd.f32 v1, v0  }
0xeb: {  	p0 =	sne.s32 s8, s5  }
.Ltmp2:
0xec: {  	[tilespmem:$0x10000] =	vst v0;
	(pc) =	sbr.rel @p0 .LBB2_1-.Ltmp2, $4  }
0xed: {  	[hbm4b:s4+s2] =	stream.linear.scatter [tilespmem:s7], [sflag:$0x1], $0x80, $0x38;
	[tilespmem:$0x10080] =	vst v63  }
0xee: {  	_ =	swait.ge [sflag:s6], $0x80  }
0xef: {  	[sflag:s6] =	ssyncset.done $0x0  }
0xf0: {  	[sflag:s6] =	ssyncadd.s32 $0xFFFFFF80  }
0xf1: {  	_ =	sfence.sel $0x180000  }
0xf2: {  	[bflag:$0x0] =	sbarrier.arrive $0xFFFF  }
0xf3: {  	p0 =	sne.s32 s1, $0x0;
	_ =	strace $0x90000047  }
0xf4: {  	s0 =	sadd.s32 @!p0 $0x100000, s0;
	[bflag:$0x2] =	sbarrier.arrive $0xFFFF  }
0xf5: {  	[sflag:s0] =	ssyncadd.tile.s32 @!p0 $0x1;
	_ =	shalt  }
.Lfunc_end2:
_tile_overlayer_lowered:
.L_overlay_start_2:
0xf6: {  	(tag) =	ssettag $0x2  }
0xf7: {  	s0 =	rddreg [dreg:$0x0];
	s2 =	stileid.u32  }
0xf8: {  	s1 =	rddreg [dreg:$0x1];
	p0 =	sne.s32 s2, $0x0  }
0xf9: {  	s3 =	rddreg [dreg:$0x2];
	[bflag:$0x3] =	sbarrier.arrive $0xFFFF;
	s2 =	simm.s32 @!p0 $0x1C01  }
0xfa: {  	[timem:s3], [sflag:s2] =	dma.local @!p0 [hbm:s0], s1  }
0xfb: {  	s0 =	simm.s32 @!p0 $0x1  }
0xfc: {  	_ =	swait.ge @!p0 [sflag:s0], s1  }
0xfd: {  	s1 =	ssub.s32 @!p0 $0x0, s1;
	[sflag:s0] =	ssyncset.done @!p0 $0x0  }
0xfe: {  	[sflag:s0] =	ssyncadd.s32 @!p0 s1  }
0xff: {  	[bflag:$0x3] =	sbarrier.arrive $0xFFFF  }
0x100: {  	_ =	shalt  }

</sc_bundles>
